<compile_context>
chip_gen: v7x
topology: tpu7x:2x2x1
jax: 0.10.2.dev20260603
libtpu: 0.0.44.dev20260713+nightly
codegen_flags: <defaults>
</compile_context>

<pallas_src>
import functools

import jax
import jax.numpy as jnp
from jax import lax
from jax.experimental import pallas as pl
from jax.experimental.pallas import tpu as pltpu
from jax.experimental.pallas import tpu_sc as plsc

VOCAB = 100000
D_MODEL = 128

_info = plsc.get_sparse_core_info()
_NC, _NS = _info.num_cores, _info.num_subcores
_NW = _NC * _NS

_CHUNK = 128

_NBUF = 2


@functools.partial(jax.jit, static_argnames=("b_per_w",))
def _gather_sc(x_flat, table, *, b_per_w):
    n_chunks = b_per_w // _CHUNK
    B = _NW * b_per_w
    mesh = plsc.VectorSubcoreMesh(core_axis_name="c", subcore_axis_name="s")

    @functools.partial(
        pl.kernel,
        mesh=mesh,
        out_type=jax.ShapeDtypeStruct((B, D_MODEL), jnp.float32),
        scratch_types=[
            pltpu.VMEM((n_chunks, _CHUNK), jnp.int32),
            pltpu.VMEM((_NBUF, _CHUNK, D_MODEL), jnp.float32),
            pltpu.SemaphoreType.DMA((_NBUF,)),
            pltpu.SemaphoreType.DMA((_NBUF,)),
            pltpu.SemaphoreType.DMA,
        ],
    )
    def k(x_hbm, table_hbm, out_hbm, idx_v, rows_v, gsem, osem, isem):
        wid = lax.axis_index("s") * _NC + lax.axis_index("c")
        base = wid * b_per_w

        staged = pltpu.make_async_copy(x_hbm.at[wid], idx_v.at[...], isem)
        staged.start()
        staged.wait()

        def gather(j, slot):
            return pltpu.make_async_copy(
                table_hbm.at[idx_v.at[j]],
                rows_v.at[slot],
                gsem.at[slot],
            )

        def store(j, slot):
            return pltpu.make_async_copy(
                rows_v.at[slot],
                out_hbm.at[pl.ds(base + j * _CHUNK, _CHUNK)],
                osem.at[slot],
            )

        for j in range(_NBUF - 1):
            gather(j, j).start()

        def body(j, _):
            slot = lax.rem(j, _NBUF)
            fslot = lax.rem(j + _NBUF - 1, _NBUF)

            @pl.when(j > 0)
            def _():
                store(j - 1, fslot).wait()

            @pl.when(j + _NBUF - 1 < n_chunks)
            def _():
                gather(j + _NBUF - 1, fslot).start()

            gather(j, slot).wait()
            store(j, slot).start()
            return 0

        lax.fori_loop(0, n_chunks, body, 0)
        store(n_chunks - 1, lax.rem(n_chunks - 1, _NBUF)).wait()

    return k(x_flat, table)


def kernel(x, table):
    B_total = x.shape[0] * x.shape[1]
    x_flat = jnp.reshape(x.astype(jnp.int32), (_NW, B_total // (_NW * _CHUNK), _CHUNK))
    b_per_w = B_total // _NW
    out = _gather_sc(x_flat, table, b_per_w=b_per_w)
    return jnp.reshape(out, (x.shape[0], x.shape[1], D_MODEL))

# --- scband reference (transcript-rebuilt; emitter-appended) ---
"""Pipeline reference for scband-input-embeddings-42485816492177 (READ-ONLY COPY).

The authoritative reference and input builder live on the scoring server;
editing this copy changes nothing except your own understanding.
"""

import jax, jax.numpy as jnp
import numpy as np

VOCAB = 100000
D_MODEL = 128

def setup_inputs(seed: int = 0) -> dict:
    key = jax.random.key(seed)
    k1, k2 = jax.random.split(key)
    x = jax.random.randint(k1, (4096, 200), 0, VOCAB, dtype=jnp.int64)
    table = jax.random.normal(k2, (VOCAB, D_MODEL), dtype=jnp.float32)
    return {"x": x, "table": table}

def reference(x, table):
    # torch.nn.Embedding lookup: out[b, l, :] = table[x[b, l], :]
    return jnp.take(table, x, axis=0)

if __name__ == "__main__":
    import jax
    _d = setup_inputs()
    print(jax.jit(kernel)(*tuple(_d.values())))

</pallas_src>

<mosaic_0001>
#map = affine_map<(d0, d1) -> (0, 0, 0)>
#map1 = affine_map<(d0, d1) -> (0, 0)>
module attributes {stable_mosaic.version = 14 : i64} {
  func.func @k(%arg0: i32, %arg1: i32, %arg2: memref<32x200x128xi32, #tpu.memory_space<hbm>>, %arg3: memref<100000x128xf32, #tpu.memory_space<hbm>>, %arg4: memref<819200x128xf32, #tpu.memory_space<hbm>>, %arg5: memref<200x128xi32, #tpu.memory_space<vmem>>, %arg6: memref<2x128x128xf32, #tpu.memory_space<vmem>>, %arg7: memref<2x!tpu.dma_semaphore, #tpu.memory_space<semaphore_mem>>, %arg8: memref<2x!tpu.dma_semaphore, #tpu.memory_space<semaphore_mem>>, %arg9: memref<!tpu.dma_semaphore, #tpu.memory_space<semaphore_mem>>) attributes {dimension_semantics = [#tpu.dimension_semantics<core_parallel>, #tpu.dimension_semantics<subcore_parallel>], iteration_bounds = array<i64: 2, 16>, scalar_prefetch = 0 : i64, scratch_operands = 5 : i64, tpu.core_type = #tpu.core_type<sc_vector_subcore>, window_params = [{transform_indices = #map}, {transform_indices = #map1}, {transform_indices = #map1}]} {
    %mul3A = arith.constant 2 : i32
    %mul3A_0 = arith.muli %arg1, %mul3A : i32
    %add3A = arith.addi %mul3A_0, %arg0 : i32
    %mul3A_1 = arith.constant 25600 : i32
    %mul3A_2 = arith.muli %add3A, %mul3A_1 : i32
    %dma_start3A = arith.constant 0 : i32
    %dma_start3A_3 = arith.constant 0 : i32
    %dma_start3A_4 = tpu.memref_slice %arg5[%dma_start3A, %dma_start3A_3] : memref<200x128xi32, #tpu.memory_space<vmem>> -> memref<200x128xi32, #tpu.memory_space<vmem>>
    %dma_start3A_5 = arith.constant 0 : i32
    %dma_start3A_6 = arith.constant 0 : i32
    %dma_start3A_7 = tpu.memref_slice %arg2[%add3A, %dma_start3A_5, %dma_start3A_6] : memref<32x200x128xi32, #tpu.memory_space<hbm>> -> memref<1x200x128xi32, #tpu.memory_space<hbm>>
    %dma_start3A_8 = tpu.memref_squeeze %dma_start3A_7 : memref<1x200x128xi32, #tpu.memory_space<hbm>> -> memref<200x128xi32, #tpu.memory_space<hbm>>
    %dma_start3A_9 = arith.constant 0 : i32
    %dma_start3A_10 = arith.constant 0 : i32
    %dma_start3A_11 = tpu.memref_slice %arg5[%dma_start3A_9, %dma_start3A_10] : memref<200x128xi32, #tpu.memory_space<vmem>> -> memref<200x128xi32, #tpu.memory_space<vmem>>
    %dma_start3A_12 = arith.constant 0 : i32
    %dma_start3A_13 = arith.constant 0 : i32
    %dma_start3A_14 = tpu.memref_slice %arg2[%add3A, %dma_start3A_12, %dma_start3A_13] : memref<32x200x128xi32, #tpu.memory_space<hbm>> -> memref<1x200x128xi32, #tpu.memory_space<hbm>>
    %dma_start3A_15 = tpu.memref_squeeze %dma_start3A_14 : memref<1x200x128xi32, #tpu.memory_space<hbm>> -> memref<200x128xi32, #tpu.memory_space<hbm>>
    tpu.enqueue_dma source(%dma_start3A_15 : memref<200x128xi32, #tpu.memory_space<hbm>>) target(%dma_start3A_11 : memref<200x128xi32, #tpu.memory_space<vmem>>) target_semaphore(%arg9 : memref<!tpu.dma_semaphore, #tpu.memory_space<semaphore_mem>>)
    %dma_wait3A = arith.constant 0 : i32
    %dma_wait3A_16 = arith.constant 0 : i32
    %dma_wait3A_17 = tpu.memref_slice %arg5[%dma_wait3A, %dma_wait3A_16] : memref<200x128xi32, #tpu.memory_space<vmem>> -> memref<200x128xi32, #tpu.memory_space<vmem>>
    %dma_wait3A_18 = arith.constant 0 : i32
    %dma_wait3A_19 = arith.constant 0 : i32
    %dma_wait3A_20 = tpu.memref_slice %arg2[%add3A, %dma_wait3A_18, %dma_wait3A_19] : memref<32x200x128xi32, #tpu.memory_space<hbm>> -> memref<1x200x128xi32, #tpu.memory_space<hbm>>
    %dma_wait3A_21 = tpu.memref_squeeze %dma_wait3A_20 : memref<1x200x128xi32, #tpu.memory_space<hbm>> -> memref<200x128xi32, #tpu.memory_space<hbm>>
    %dma_wait3A_22 = arith.constant 0 : i32
    %dma_wait3A_23 = arith.constant 0 : i32
    %dma_wait3A_24 = tpu.memref_slice %arg5[%dma_wait3A_22, %dma_wait3A_23] : memref<200x128xi32, #tpu.memory_space<vmem>> -> memref<200x128xi32, #tpu.memory_space<vmem>>
    %dma_wait3A_25 = arith.constant 0 : i32
    %dma_wait3A_26 = arith.constant 0 : i32
    %dma_wait3A_27 = tpu.memref_slice %arg2[%add3A, %dma_wait3A_25, %dma_wait3A_26] : memref<32x200x128xi32, #tpu.memory_space<hbm>> -> memref<1x200x128xi32, #tpu.memory_space<hbm>>
    %dma_wait3A_28 = tpu.memref_squeeze %dma_wait3A_27 : memref<1x200x128xi32, #tpu.memory_space<hbm>> -> memref<200x128xi32, #tpu.memory_space<hbm>>
    tpu.wait_dma2 semaphore(%arg9 : memref<!tpu.dma_semaphore, #tpu.memory_space<semaphore_mem>>) src(%dma_wait3A_28 : memref<200x128xi32, #tpu.memory_space<hbm>>) dst(%dma_wait3A_24 : memref<200x128xi32, #tpu.memory_space<vmem>>)
    %dma_start3A_29 = arith.constant 0 : i32
    %dma_start3A_30 = arith.constant 0 : i32
    %dma_start3A_31 = arith.constant 0 : i32
    %dma_start3A_32 = arith.constant 0 : i32
    %dma_start3A_33 = arith.constant 0 : i32
    %dma_start3A_34 = tpu.memref_slice %arg6[%dma_start3A_30, %dma_start3A_32, %dma_start3A_33] : memref<2x128x128xf32, #tpu.memory_space<vmem>> -> memref<1x128x128xf32, #tpu.memory_space<vmem>>
    %dma_start3A_35 = tpu.memref_squeeze %dma_start3A_34 : memref<1x128x128xf32, #tpu.memory_space<vmem>> -> memref<128x128xf32, #tpu.memory_space<vmem>>
    %dma_start3A_36 = arith.constant 0 : i32
    %dma_start3A_37 = tpu.memref_slice %arg5[%dma_start3A_29, %dma_start3A_36] : memref<200x128xi32, #tpu.memory_space<vmem>> -> memref<1x128xi32, #tpu.memory_space<vmem>>
    %dma_start3A_38 = tpu.memref_squeeze %dma_start3A_37 : memref<1x128xi32, #tpu.memory_space<vmem>> -> memref<128xi32, #tpu.memory_space<vmem>>
    %dma_start3A_39 = arith.constant 0 : i32
    %dma_start3A_40 = arith.constant 0 : i32
    %dma_start3A_41 = tpu.memref_slice %arg3[%dma_start3A_39, %dma_start3A_40] : memref<100000x128xf32, #tpu.memory_space<hbm>> -> memref<100000x128xf32, #tpu.memory_space<hbm>>
    %dma_start3A_42 = tpu.memref_slice %arg7[%dma_start3A_31] : memref<2x!tpu.dma_semaphore, #tpu.memory_space<semaphore_mem>> -> memref<1x!tpu.dma_semaphore, #tpu.memory_space<semaphore_mem>>
    %dma_start3A_43 = tpu.memref_squeeze %dma_start3A_42 : memref<1x!tpu.dma_semaphore, #tpu.memory_space<semaphore_mem>> -> memref<!tpu.dma_semaphore, #tpu.memory_space<semaphore_mem>>
    tpu.enqueue_indirect_dma source(%dma_start3A_41 : memref<100000x128xf32, #tpu.memory_space<hbm>>) target(%dma_start3A_35 : memref<128x128xf32, #tpu.memory_space<vmem>>) offsets(%dma_start3A_38 : memref<128xi32, #tpu.memory_space<vmem>>) semaphore(%dma_start3A_43 : memref<!tpu.dma_semaphore, #tpu.memory_space<semaphore_mem>>)
    %scan3A = arith.constant 0 : i32
    %scan3A_44 = arith.constant 0 : i32
    %scan3A_45 = arith.constant 200 : i32
    %scan3A_46 = arith.addi %scan3A_44, %scan3A_45 : i32
    %scan3A_47 = arith.constant 1 : i32
    %scan3A_48 = scf.for %scan3A_68 = %scan3A_44 to %scan3A_46 step %scan3A_47 iter_args(%scan3A_69 = %scan3A) -> (i32)  : i32 {
      %rem3A_70 = arith.constant 2 : i32
      %rem3A_71 = arith.remsi %scan3A_68, %rem3A_70 : i32
      %add3A_72 = arith.constant 2 : i32
      %add3A_73 = arith.addi %scan3A_68, %add3A_72 : i32
      %sub3A = arith.constant 1 : i32
      %sub3A_74 = arith.subi %add3A_73, %sub3A : i32
      %rem3A_75 = arith.constant 2 : i32
      %rem3A_76 = arith.remsi %sub3A_74, %rem3A_75 : i32
      %gt3A = arith.constant 0 : i32
      %gt3A_77 = arith.cmpi sgt, %scan3A_68, %gt3A : i32
      %convert_element_type3A = arith.extui %gt3A_77 : i1 to i32
      %cond3A = arith.constant 0 : i32
      %cond3A_78 = arith.cmpi ne, %convert_element_type3A, %cond3A : i32
      scf.if %cond3A_78 {
        %sub3A_117 = arith.constant 1 : i32
        %sub3A_118 = arith.subi %scan3A_68, %sub3A_117 : i32
        %mul3A_119 = arith.constant 128 : i32
        %mul3A_120 = arith.muli %sub3A_118, %mul3A_119 : i32
        %add3A_121 = arith.addi %mul3A_2, %mul3A_120 : i32
        %dma_wait3A_122 = arith.constant 0 : i32
        %dma_wait3A_123 = arith.constant 0 : i32
        %dma_wait3A_124 = tpu.memref_slice %arg6[%rem3A_76, %dma_wait3A_122, %dma_wait3A_123] : memref<2x128x128xf32, #tpu.memory_space<vmem>> -> memref<1x128x128xf32, #tpu.memory_space<vmem>>
        %dma_wait3A_125 = tpu.memref_squeeze %dma_wait3A_124 : memref<1x128x128xf32, #tpu.memory_space<vmem>> -> memref<128x128xf32, #tpu.memory_space<vmem>>
        %dma_wait3A_126 = arith.constant 0 : i32
        %dma_wait3A_127 = tpu.memref_slice %arg4[%add3A_121, %dma_wait3A_126] : memref<819200x128xf32, #tpu.memory_space<hbm>> -> memref<128x128xf32, #tpu.memory_space<hbm>>
        %dma_wait3A_128 = tpu.memref_slice %arg8[%rem3A_76] : memref<2x!tpu.dma_semaphore, #tpu.memory_space<semaphore_mem>> -> memref<1x!tpu.dma_semaphore, #tpu.memory_space<semaphore_mem>>
        %dma_wait3A_129 = tpu.memref_squeeze %dma_wait3A_128 : memref<1x!tpu.dma_semaphore, #tpu.memory_space<semaphore_mem>> -> memref<!tpu.dma_semaphore, #tpu.memory_space<semaphore_mem>>
        %dma_wait3A_130 = arith.constant 0 : i32
        %dma_wait3A_131 = tpu.memref_slice %arg4[%add3A_121, %dma_wait3A_130] : memref<819200x128xf32, #tpu.memory_space<hbm>> -> memref<128x128xf32, #tpu.memory_space<hbm>>
        %dma_wait3A_132 = arith.constant 0 : i32
        %dma_wait3A_133 = arith.constant 0 : i32
        %dma_wait3A_134 = tpu.memref_slice %arg6[%rem3A_76, %dma_wait3A_132, %dma_wait3A_133] : memref<2x128x128xf32, #tpu.memory_space<vmem>> -> memref<1x128x128xf32, #tpu.memory_space<vmem>>
        %dma_wait3A_135 = tpu.memref_squeeze %dma_wait3A_134 : memref<1x128x128xf32, #tpu.memory_space<vmem>> -> memref<128x128xf32, #tpu.memory_space<vmem>>
        tpu.wait_dma2 semaphore(%dma_wait3A_129 : memref<!tpu.dma_semaphore, #tpu.memory_space<semaphore_mem>>) src(%dma_wait3A_135 : memref<128x128xf32, #tpu.memory_space<vmem>>) dst(%dma_wait3A_131 : memref<128x128xf32, #tpu.memory_space<hbm>>)
      } else {
      }
      %add3A_79 = arith.constant 2 : i32
      %add3A_80 = arith.addi %scan3A_68, %add3A_79 : i32
      %sub3A_81 = arith.constant 1 : i32
      %sub3A_82 = arith.subi %add3A_80, %sub3A_81 : i32
      %lt3A = arith.constant 200 : i32
      %lt3A_83 = arith.cmpi slt, %sub3A_82, %lt3A : i32
      %convert_element_type3A_84 = arith.extui %lt3A_83 : i1 to i32
      %cond3A_85 = arith.constant 0 : i32
      %cond3A_86 = arith.cmpi ne, %convert_element_type3A_84, %cond3A_85 : i32
      scf.if %cond3A_86 {
        %add3A_117 = arith.constant 2 : i32
        %add3A_118 = arith.addi %scan3A_68, %add3A_117 : i32
        %sub3A_119 = arith.constant 1 : i32
        %sub3A_120 = arith.subi %add3A_118, %sub3A_119 : i32
        %dma_start3A_121 = arith.constant 0 : i32
        %dma_start3A_122 = arith.constant 0 : i32
        %dma_start3A_123 = tpu.memref_slice %arg6[%rem3A_76, %dma_start3A_121, %dma_start3A_122] : memref<2x128x128xf32, #tpu.memory_space<vmem>> -> memref<1x128x128xf32, #tpu.memory_space<vmem>>
        %dma_start3A_124 = tpu.memref_squeeze %dma_start3A_123 : memref<1x128x128xf32, #tpu.memory_space<vmem>> -> memref<128x128xf32, #tpu.memory_space<vmem>>
        %dma_start3A_125 = arith.constant 0 : i32
        %dma_start3A_126 = tpu.memref_slice %arg5[%sub3A_120, %dma_start3A_125] : memref<200x128xi32, #tpu.memory_space<vmem>> -> memref<1x128xi32, #tpu.memory_space<vmem>>
        %dma_start3A_127 = tpu.memref_squeeze %dma_start3A_126 : memref<1x128xi32, #tpu.memory_space<vmem>> -> memref<128xi32, #tpu.memory_space<vmem>>
        %dma_start3A_128 = arith.constant 0 : i32
        %dma_start3A_129 = arith.constant 0 : i32
        %dma_start3A_130 = tpu.memref_slice %arg3[%dma_start3A_128, %dma_start3A_129] : memref<100000x128xf32, #tpu.memory_space<hbm>> -> memref<100000x128xf32, #tpu.memory_space<hbm>>
        %dma_start3A_131 = tpu.memref_slice %arg7[%rem3A_76] : memref<2x!tpu.dma_semaphore, #tpu.memory_space<semaphore_mem>> -> memref<1x!tpu.dma_semaphore, #tpu.memory_space<semaphore_mem>>
        %dma_start3A_132 = tpu.memref_squeeze %dma_start3A_131 : memref<1x!tpu.dma_semaphore, #tpu.memory_space<semaphore_mem>> -> memref<!tpu.dma_semaphore, #tpu.memory_space<semaphore_mem>>
        tpu.enqueue_indirect_dma source(%dma_start3A_130 : memref<100000x128xf32, #tpu.memory_space<hbm>>) target(%dma_start3A_124 : memref<128x128xf32, #tpu.memory_space<vmem>>) offsets(%dma_start3A_127 : memref<128xi32, #tpu.memory_space<vmem>>) semaphore(%dma_start3A_132 : memref<!tpu.dma_semaphore, #tpu.memory_space<semaphore_mem>>)
      } else {
      }
      %dma_wait3A_87 = arith.constant 0 : i32
      %dma_wait3A_88 = arith.constant 0 : i32
      %dma_wait3A_89 = tpu.memref_slice %arg6[%rem3A_71, %dma_wait3A_87, %dma_wait3A_88] : memref<2x128x128xf32, #tpu.memory_space<vmem>> -> memref<1x128x128xf32, #tpu.memory_space<vmem>>
      %dma_wait3A_90 = tpu.memref_squeeze %dma_wait3A_89 : memref<1x128x128xf32, #tpu.memory_space<vmem>> -> memref<128x128xf32, #tpu.memory_space<vmem>>
      %dma_wait3A_91 = arith.constant 0 : i32
      %dma_wait3A_92 = tpu.memref_slice %arg5[%scan3A_68, %dma_wait3A_91] : memref<200x128xi32, #tpu.memory_space<vmem>> -> memref<1x128xi32, #tpu.memory_space<vmem>>
      %dma_wait3A_93 = tpu.memref_squeeze %dma_wait3A_92 : memref<1x128xi32, #tpu.memory_space<vmem>> -> memref<128xi32, #tpu.memory_space<vmem>>
      %dma_wait3A_94 = arith.constant 0 : i32
      %dma_wait3A_95 = arith.constant 0 : i32
      %dma_wait3A_96 = tpu.memref_slice %arg3[%dma_wait3A_94, %dma_wait3A_95] : memref<100000x128xf32, #tpu.memory_space<hbm>> -> memref<100000x128xf32, #tpu.memory_space<hbm>>
      %dma_wait3A_97 = tpu.memref_slice %arg7[%rem3A_71] : memref<2x!tpu.dma_semaphore, #tpu.memory_space<semaphore_mem>> -> memref<1x!tpu.dma_semaphore, #tpu.memory_space<semaphore_mem>>
      %dma_wait3A_98 = tpu.memref_squeeze %dma_wait3A_97 : memref<1x!tpu.dma_semaphore, #tpu.memory_space<semaphore_mem>> -> memref<!tpu.dma_semaphore, #tpu.memory_space<semaphore_mem>>
      tpu.wait_indirect_dma semaphore(%dma_wait3A_98 : memref<!tpu.dma_semaphore, #tpu.memory_space<semaphore_mem>>) src(%dma_wait3A_96 : memref<100000x128xf32, #tpu.memory_space<hbm>>) dst(%dma_wait3A_90 : memref<128x128xf32, #tpu.memory_space<vmem>>)
      %mul3A_99 = arith.constant 128 : i32
      %mul3A_100 = arith.muli %scan3A_68, %mul3A_99 : i32
      %add3A_101 = arith.addi %mul3A_2, %mul3A_100 : i32
      %dma_start3A_102 = arith.constant 0 : i32
      %dma_start3A_103 = arith.constant 0 : i32
      %dma_start3A_104 = tpu.memref_slice %arg6[%rem3A_71, %dma_start3A_102, %dma_start3A_103] : memref<2x128x128xf32, #tpu.memory_space<vmem>> -> memref<1x128x128xf32, #tpu.memory_space<vmem>>
      %dma_start3A_105 = tpu.memref_squeeze %dma_start3A_104 : memref<1x128x128xf32, #tpu.memory_space<vmem>> -> memref<128x128xf32, #tpu.memory_space<vmem>>
      %dma_start3A_106 = arith.constant 0 : i32
      %dma_start3A_107 = tpu.memref_slice %arg4[%add3A_101, %dma_start3A_106] : memref<819200x128xf32, #tpu.memory_space<hbm>> -> memref<128x128xf32, #tpu.memory_space<hbm>>
      %dma_start3A_108 = tpu.memref_slice %arg8[%rem3A_71] : memref<2x!tpu.dma_semaphore, #tpu.memory_space<semaphore_mem>> -> memref<1x!tpu.dma_semaphore, #tpu.memory_space<semaphore_mem>>
      %dma_start3A_109 = tpu.memref_squeeze %dma_start3A_108 : memref<1x!tpu.dma_semaphore, #tpu.memory_space<semaphore_mem>> -> memref<!tpu.dma_semaphore, #tpu.memory_space<semaphore_mem>>
      %dma_start3A_110 = arith.constant 0 : i32
      %dma_start3A_111 = tpu.memref_slice %arg4[%add3A_101, %dma_start3A_110] : memref<819200x128xf32, #tpu.memory_space<hbm>> -> memref<128x128xf32, #tpu.memory_space<hbm>>
      %dma_start3A_112 = arith.constant 0 : i32
      %dma_start3A_113 = arith.constant 0 : i32
      %dma_start3A_114 = tpu.memref_slice %arg6[%rem3A_71, %dma_start3A_112, %dma_start3A_113] : memref<2x128x128xf32, #tpu.memory_space<vmem>> -> memref<1x128x128xf32, #tpu.memory_space<vmem>>
      %dma_start3A_115 = tpu.memref_squeeze %dma_start3A_114 : memref<1x128x128xf32, #tpu.memory_space<vmem>> -> memref<128x128xf32, #tpu.memory_space<vmem>>
      tpu.enqueue_dma source(%dma_start3A_115 : memref<128x128xf32, #tpu.memory_space<vmem>>) target(%dma_start3A_111 : memref<128x128xf32, #tpu.memory_space<hbm>>) target_semaphore(%dma_start3A_109 : memref<!tpu.dma_semaphore, #tpu.memory_space<semaphore_mem>>)
      %scan3A_116 = arith.constant 0 : i32
      scf.yield %scan3A_116 : i32
    }
    %scan3A_49 = arith.constant 200 : i32
    %rem3A = arith.constant 199 : i32
    %rem3A_50 = arith.constant 2 : i32
    %rem3A_51 = arith.remsi %rem3A, %rem3A_50 : i32
    %add3A_52 = arith.constant 25472 : i32
    %add3A_53 = arith.addi %mul3A_2, %add3A_52 : i32
    %dma_wait3A_54 = arith.constant 0 : i32
    %dma_wait3A_55 = arith.constant 0 : i32
    %dma_wait3A_56 = tpu.memref_slice %arg6[%rem3A_51, %dma_wait3A_54, %dma_wait3A_55] : memref<2x128x128xf32, #tpu.memory_space<vmem>> -> memref<1x128x128xf32, #tpu.memory_space<vmem>>
    %dma_wait3A_57 = tpu.memref_squeeze %dma_wait3A_56 : memref<1x128x128xf32, #tpu.memory_space<vmem>> -> memref<128x128xf32, #tpu.memory_space<vmem>>
    %dma_wait3A_58 = arith.constant 0 : i32
    %dma_wait3A_59 = tpu.memref_slice %arg4[%add3A_53, %dma_wait3A_58] : memref<819200x128xf32, #tpu.memory_space<hbm>> -> memref<128x128xf32, #tpu.memory_space<hbm>>
    %dma_wait3A_60 = tpu.memref_slice %arg8[%rem3A_51] : memref<2x!tpu.dma_semaphore, #tpu.memory_space<semaphore_mem>> -> memref<1x!tpu.dma_semaphore, #tpu.memory_space<semaphore_mem>>
    %dma_wait3A_61 = tpu.memref_squeeze %dma_wait3A_60 : memref<1x!tpu.dma_semaphore, #tpu.memory_space<semaphore_mem>> -> memref<!tpu.dma_semaphore, #tpu.memory_space<semaphore_mem>>
    %dma_wait3A_62 = arith.constant 0 : i32
    %dma_wait3A_63 = tpu.memref_slice %arg4[%add3A_53, %dma_wait3A_62] : memref<819200x128xf32, #tpu.memory_space<hbm>> -> memref<128x128xf32, #tpu.memory_space<hbm>>
    %dma_wait3A_64 = arith.constant 0 : i32
    %dma_wait3A_65 = arith.constant 0 : i32
    %dma_wait3A_66 = tpu.memref_slice %arg6[%rem3A_51, %dma_wait3A_64, %dma_wait3A_65] : memref<2x128x128xf32, #tpu.memory_space<vmem>> -> memref<1x128x128xf32, #tpu.memory_space<vmem>>
    %dma_wait3A_67 = tpu.memref_squeeze %dma_wait3A_66 : memref<1x128x128xf32, #tpu.memory_space<vmem>> -> memref<128x128xf32, #tpu.memory_space<vmem>>
    tpu.wait_dma2 semaphore(%dma_wait3A_61 : memref<!tpu.dma_semaphore, #tpu.memory_space<semaphore_mem>>) src(%dma_wait3A_67 : memref<128x128xf32, #tpu.memory_space<vmem>>) dst(%dma_wait3A_63 : memref<128x128xf32, #tpu.memory_space<hbm>>)
    return
  }
}

</mosaic_0001>

<sc_bundles>
// kernel: _gather_sc.3.cloned.1.call-start
scs
__scs_entry_jumppad:
0x0: {  	(pc) =	sbr.rel $0x88, $3  }
0x1: {  	(tag) =	ssettag $0x0;
	lr =	simm.s32 $0x1  }
0x2: {  	[smem:$0x3F9F] =	sst lr;
	_ =	strace $0xD0000000  }
0x3: {  	_ = 	snop  }
0x4: {  	_ = 	snop  }
0x5: {  	_ = 	snop  }
0x6: {  	_ = 	snop  }
0x7: {  	_ = 	snop  }
__scs_overlays_trampoline_lowered:
0x8: {  	[smem:$0x3FAE] =	sst s0  }
0x9: {  	[smem:$0x3FAF] =	sst s1  }
0xa: {  	[smem:$0x3FB0] =	sst s2  }
0xb: {  	[smem:$0x3FB1] =	sst s3  }
0xc: {  	[smem:$0x3FB2] =	sst s4  }
0xd: {  	[smem:$0x3FB3] =	sst s5  }
0xe: {  	[smem:$0x3FB4] =	sst s6  }
0xf: {  	[smem:$0x3FB5] =	sst s7  }
0x10: {  	[smem:$0x3FB6] =	sst s8  }
0x11: {  	[smem:$0x3FB7] =	sst s9;
	s0 =	simm.s32 @!p0 $0x0  }
0x12: {  	s1 =	sld [smem:$0x3F9D];
	s0 =	simm.s32 @p0 $0x1  }
0x13: {  	[smem:$0x3FB8] =	sst s0;
	s0 =	simm.s32 @!p1 $0x0  }
0x14: {  	s2 =	sld [smem:$0x3F9C];
	s0 =	simm.s32 @p1 $0x1  }
0x15: {  	[smem:$0x3FB9] =	sst s0;
	s0 =	simm.s32 @!p2 $0x0  }
0x16: {  	s3 =	sld [smem:$0x3FDB];
	s0 =	simm.s32 @p2 $0x1  }
0x17: {  	s4 =	simm.s32 $0x1BF5;
	[smem:$0x3FBB] =	sst s0  }
0x18: {  	s0 =	sld [smem:$0x3F9E];
	_ =	swait.ge [sflag:s4], $0x0  }
0x19: {  	s7 =	sld [smem:$0x3F9F]  }
0x1a: {  	s8 =	sadd.s32 $0xFFFFE003, lr  }
0x1b: {  	s9 =	sadd.s32 $0xFFFFFEF7, lr;
	s5 =	simm.s32 $0xFFFFFFFF;
	p2 =	slt.u32 s8, $0xFFFFF086  }
0x1c: {  	p1 =	slt.u32 s9, $0xF7A;
	s5 =	simm.s32 @!p2 $0x0  }
0x1d: {  	s5 =	simm.s32 @p1 $0x1;
	p0 =	seq.s32 s7, s2  }
0x1e: {  	s7 =	smul.u32 @!p0 $0xF7A, s2;
	p2 =	seq.s32 @!p0 s5, $0x0  }
0x1f: {  	s9 =	smul.u32 $0xF7A, s1;
	s8 =	simm.s32 @!p0 $0x1BF5;
	p2 =	por !p2, p0  }
0x20: {  	[sflag:s8] =	ssyncset.s32 @!p0 $0xFFFFF086;
	s6 =	sadd.s32 @!p0 s3, s7;
	s7 =	simm.s32 @!p0 $0x108  }
0x21: {  	s3 =	sadd.s32 s3, s9;
	s6 =	sadd.s32 @!p0 $0x88, s6;
	s7 =	simm.s32 @p2 $0x1082  }
0x22: {  	[simem:s7], [sflag:s8] =	dma.local @!p0 [hbm:s6], $0xF7A  }
0x23: {  	s9 =	sor.u32 $0xD0000000, s2;
	s6 =	simm.s32 $0x108;
	_ =	swait.ge @!p0 [sflag:s8], $0x0  }
0x24: {  	s3 =	sadd.s32 $0x88, s3;
	s6 =	simm.s32 @!p1 $0x1082;
	[sflag:s4] =	ssyncset.s32 $0xFFFFF086  }
0x25: {  	[simem:s6], [sflag:s4] =	dma.local [hbm:s3], $0xF7A  }
0x26: {  	[smem:$0x3F9F] =	sst s1;
	(tag) =	ssettag s2;
	_ =	strace s9  }
0x27: {  	s1 =	sld [smem:$0x3FAF]  }
0x28: {  	s2 =	sld [smem:$0x3FB0]  }
0x29: {  	s4 =	sld [smem:$0x3FB2]  }
0x2a: {  	p0 =	seq.s32 s5, $0x0;
	s5 =	sld [smem:$0x3FB3]  }
0x2b: {  	s6 =	sld [smem:$0x3FB4]  }
0x2c: {  	s7 =	sld [smem:$0x3FB5]  }
0x2d: {  	s3 =	simm.s32 $0x108;
	s8 =	sld [smem:$0x3FB6]  }
0x2e: {  	s3 =	simm.s32 @!p0 $0x1082;
	s9 =	sld [smem:$0x3FB7]  }
0x2f: {  	lr =	sadd.s32 s0, s3;
	s0 =	sld [smem:$0x3FAE]  }
0x30: {  	s3 =	sld [smem:$0x3FB1]  }
0x31: {  	[smem:$0x3FBA] =	sst s10  }
0x32: {  	s10 =	sld [smem:$0x3FB8];
	_ =	sdelay $0x3  }
0x33: {  	p0 =	seq.s32 s10, $0x1;
	s10 =	sld [smem:$0x3FBA];
	_ =	sdelay $0x3  }
0x34: {  	[smem:$0x3FBA] =	sst s10  }
0x35: {  	s10 =	sld [smem:$0x3FB9];
	_ =	sdelay $0x3  }
0x36: {  	p1 =	seq.s32 s10, $0x1;
	s10 =	sld [smem:$0x3FBA];
	_ =	sdelay $0x3  }
0x37: {  	[smem:$0x3FBA] =	sst s10  }
0x38: {  	s10 =	sld [smem:$0x3FBB]  }
0x39: {  	_ = 	snop;
	(pc) =	sbr.ind lr, $3  }
0x3a: {  	_ = 	snop  }
0x3b: {  	_ = 	snop  }
0x3c: {  	p2 =	seq.s32 s10, $0x1;
	s10 =	sld [smem:$0x3FBA]  }
0x3d: {  	_ =	shalt  }
0x3e: {  	_ =	shalt  }
0x3f: {  	_ =	shalt  }
0x40: {  	_ =	shalt  }
0x41: {  	_ =	shalt  }
0x42: {  	_ =	shalt  }
0x43: {  	_ =	shalt  }
0x44: {  	_ =	shalt  }
0x45: {  	_ =	shalt  }
0x46: {  	_ =	shalt  }
0x47: {  	_ =	shalt  }
0x48: {  	_ =	shalt  }
0x49: {  	_ =	shalt  }
0x4a: {  	_ =	shalt  }
0x4b: {  	_ =	shalt  }
0x4c: {  	_ =	shalt  }
0x4d: {  	_ =	shalt  }
0x4e: {  	_ =	shalt  }
0x4f: {  	_ =	shalt  }
0x50: {  	_ =	shalt  }
0x51: {  	_ =	shalt  }
0x52: {  	_ =	shalt  }
0x53: {  	_ =	shalt  }
0x54: {  	_ =	shalt  }
0x55: {  	_ =	shalt  }
0x56: {  	_ =	shalt  }
0x57: {  	_ =	shalt  }
0x58: {  	_ =	shalt  }
0x59: {  	_ =	shalt  }
0x5a: {  	_ =	shalt  }
0x5b: {  	_ =	shalt  }
0x5c: {  	_ =	shalt  }
0x5d: {  	_ =	shalt  }
0x5e: {  	_ =	shalt  }
0x5f: {  	_ =	shalt  }
0x60: {  	_ =	shalt  }
0x61: {  	_ =	shalt  }
0x62: {  	_ =	shalt  }
0x63: {  	_ =	shalt  }
0x64: {  	_ =	shalt  }
0x65: {  	_ =	shalt  }
0x66: {  	_ =	shalt  }
0x67: {  	_ =	shalt  }
0x68: {  	_ =	shalt  }
0x69: {  	_ =	shalt  }
0x6a: {  	_ =	shalt  }
0x6b: {  	_ =	shalt  }
0x6c: {  	_ =	shalt  }
0x6d: {  	_ =	shalt  }
0x6e: {  	_ =	shalt  }
0x6f: {  	_ =	shalt  }
0x70: {  	_ =	shalt  }
0x71: {  	_ =	shalt  }
0x72: {  	_ =	shalt  }
0x73: {  	_ =	shalt  }
0x74: {  	_ =	shalt  }
0x75: {  	_ =	shalt  }
0x76: {  	_ =	shalt  }
0x77: {  	_ =	shalt  }
0x78: {  	_ =	shalt  }
0x79: {  	_ =	shalt  }
0x7a: {  	_ =	shalt  }
0x7b: {  	_ =	shalt  }
0x7c: {  	_ =	shalt  }
0x7d: {  	_ =	shalt  }
0x7e: {  	_ =	shalt  }
0x7f: {  	_ =	shalt  }
0x80: {  	_ =	shalt  }
0x81: {  	_ =	shalt  }
0x82: {  	_ =	shalt  }
0x83: {  	_ =	shalt  }
0x84: {  	_ =	shalt  }
0x85: {  	_ =	shalt  }
0x86: {  	_ =	shalt  }
0x87: {  	_ =	shalt  }
.Lfunc_end0:
.L_simem_size_0:
called_computation_lowered:
.L_overlay_start_0:
0x88: {  	s2 =	sld [smem:$0x3FD9]  }
0x89: {  	s3 =	sld [smem:$0x3FFE];
	_ =	sdelay $0x1  }
0x8a: {  	s1 =	srdreg.scid  }
0x8b: {  	s0 =	sand.u32 $0x1, s1  }
0x8c: {  	s18 =	sshll.u32 s0, $0xA;
	s2 =	sadd.s32 s3, s2  }
0x8d: {  	s2 =	sadd.s32 s2, s18  }
0x8e: {  	[smem:$0x3FC6] =	sst s2  }
0x8f: {  	_ = 	snop  }
0x90: {  	s2 =	sld [smem:$0x3FC9]  }
0x91: {  	s19 =	sld [smem:$0x3FC8]  }
0x92: {  	s4 =	sld [smem:$0x3FD0];
	(tm) =	ssettm $0x1  }
0x93: {  	s5 =	sld [smem:$0x3FFB];
	_ =	sdelay $0x3  }
0x94: {  	_ =	strace s5  }
0x95: {  	s5 =	sld [smem:$0x3FFC];
	_ =	sdelay $0x3  }
0x96: {  	_ =	strace s5  }
0x97: {  	s5 =	sld [smem:$0x3FFD];
	_ =	sdelay $0x3  }
0x98: {  	_ =	strace s5  }
0x99: {  	_ =	strace $0x8FFFFFFF  }
0x9a: {  	s20 =	sld [smem:$0x3FDB];
	_ =	sdelay $0x1  }
0x9b: {  	s6 =	simm.s32 $_scs_section_size  }
0x9c: {  	s7 =	simm.s32 $_size__tile_overlayer_lowered;
	s8 =	simm.s32 $_tile_overlayer_lowered  }
0x9d: {  	s23 =	simm.s32 $0x1BFF;
	s22 =	sshll.u32 s8, $0x1;
	s5 =	sadd.s32 s6, s20  }
0x9e: {  	s9 =	simm.s32 $0x0;
	s21 =	sshll.u32 s7, $0x1;
	s7 =	sadd.s32 s22, s5  }
0x9f: {  	[timem:s9], [sflag:s23] =	dma.local [hbm:s7], s21  }
0xa0: {  	_ =	swait.ge [sflag:s23], s21  }
0xa1: {  	s6 =	ssub.s32 $0x0, s21;
	[sflag:s23] =	ssyncset.done $0x0  }
0xa2: {  	[sflag:s23] =	ssyncadd.s32 s6;
	_ =	sdelay $0x1  }
0xa3: {  	s24 =	simm.s32 $0x1B8B  }
0xa4: {  	_ =	swait.ge [sflag:s24], $0x1  }
0xa5: {  	[sflag:s24] =	ssyncset.done $0x0  }
0xa6: {  	s25 =	simm.s32 $0x1B8E;
	[sflag:s24] =	ssyncadd.s32 $0xFFFFFFFF  }
0xa7: {  	s26 =	simm.s32 $execute0_lowered;
	[smem:$0x3FD2] =	sst s25  }
0xa8: {  	s6 =	sshll.u32 s26, $0x1;
	_ =	strace $0x80000046;
	[dreg:$0x1] =	wrdreg $0xFFFFFFFF  }
0xa9: {  	s28 =	simm.s32 $_size_execute0_lowered;
	s5 =	sadd.s32 s5, s6;
	[dreg:$0x0] =	wrdreg $0x0  }
0xaa: {  	s6 =	sshll.u32 s28, $0x1;
	[dreg:$0x2] =	wrdreg s5  }
0xab: {  	[dreg:$0x3] =	wrdreg s6  }
0xac: {  	[dreg:$0x4] =	wrdreg $0xC0  }
0xad: {  	_ =	task [dreg:s9], $0x5FFFF  }
0xae: {  	[dreg:$0x1] =	wrdreg $0xFFFFFFFF  }
0xaf: {  	[dreg:$0x0] =	wrdreg $0x60  }
0xb0: {  	[dreg:$0x2] =	wrdreg s2  }
0xb1: {  	[dreg:$0x3] =	wrdreg s19  }
0xb2: {  	[dreg:$0x4] =	wrdreg s4  }
0xb3: {  	[dreg:$0x5] =	wrdreg $0x9  }
0xb4: {  	_ =	task.clear_ibuf [dreg:s9], $0x6FFFF;
	_ =	strace $0x90000046  }
0xb5: {  	s29 =	simm.s32 $0x9;
	_ =	strace $0x80000048  }
0xb6: {  	_ =	swait.ge [sflag:s29], $0x1  }
0xb7: {  	[sflag:s29] =	ssyncadd.s32 $0xFFFFFFFF  }
0xb8: {  	_ =	strace $0x90000048  }
0xb9: {  	_ =	sfence  }
0xba: {  	s30 =	sld [smem:$0x0];
	_ =	sdelay $0x2  }
0xbb: {  	s31 =	sshll.u32 s1, $0xD;
	s1 =	sshrl.u32 s1, $0x2  }
0xbc: {  	s3 =	sand.u32 $0x4000, s31;
	s1 =	sadd.s32 s1, s30  }
0xbd: {  	s0 =	sor.u32 s3, s0;
	s1 =	sshll.u32 s1, $0x11  }
0xbe: {  	s0 =	sor.u32 s1, s0  }
0xbf: {  	s0 =	sadd.s32 $0x8F2B, s0  }
0xc0: {  	[sflag:s0] =	ssyncadd.remote.s32 $0x1  }
0xc1: {  	_ =	sfence.sel $0xFFFF  }
0xc2: {  	[dreg:$0x0] =	wrdreg $0xFFFFFFFF;
	(pc) =	sbr.abs _section_cstart, $3  }
0xc3: {  	[dreg:$0x1] =	wrdreg $0xFFFFFFFF  }
0xc4: {  	_ =	task.clear_ibuf [dreg:s9], $0x2FFFF;
	_ =	strace $0x9FFFFFFF  }
0xc5: {  	(tm) =	ssettm $0x7FFFFFFF  }
tec
execute0_lowered:
.L_overlay_start_1:
0x0: {  	(tag) =	ssettag $0x1  }
0x1: {  	s4 =	rddreg [dreg:$0x0]  }
0x2: {  	s1 =	srdreg.scid;
	s2 =	rddreg [dreg:$0x1]  }
0x3: {  	s0 =	stileid.u32;
	s8 =	rddreg [dreg:$0x2];
	s3 =	simm.s32 $0x0  }
0x4: {  	s12 =	simm.s32 $0xA400;
	s13 =	simm.s32 $0x1;
	s14 =	simm.s32 $0x2  }
0x5: {  	s15 =	simm.s32 $0x4;
	s16 =	simm.s32 $0x0;
	s5 =	sand.u32 $0x1, s1  }
0x6: {  	s31 =	sshll.u32 s0, $0x1;
	s1 =	rddreg [dreg:$0x3];
	s9 =	smul.u32 $0x640000, s0  }
0x7: {  	s6 =	sor.u32 s5, s31;
	s10 =	ssub.s32 $0x2, s5;
	s5 =	smul.u32 $0x320000, s5  }
0x8: {  	[smem:$0x7FF] =	sst s3;
	s7 =	smul.u32 $0x320000, s6;
	s11 =	sshrl.u32 s10, $0x1  }
0x9: {  	_ =	strace $0x80000047;
	s6 =	smul.u32 $0xC80, s6;
	s10 =	ssub.s32 s10, s11  }
0xa: {  	s9 =	sadd.s32 s5, s9;
	s11 =	simm.s32 $0x6400;
	s7 =	sshrl.u32 s7, $0x3  }
0xb: {  	s4 =	sadd.s32 s4, s6;
	s9 =	sor.u32 $0x4000, s9;
	s6 =	smax.u32 s10, $0x1  }
0xc: {  	s10 =	simm.s32 $0x80;
	s5 =	sadd.s32 s8, s7;
	s9 =	sshrl.u32 s9, $0x3  }
0xd: {  	s7 =	sadd.s32 $0x63800, s5;
	s8 =	sadd.s32 s9, s8;
	s9 =	simm.s32 $0x5  }
.LBB2_1:
0xe: {  	[tilespmem:s3], [sflag:$0x5] =	stream.linear.gather [hbm4b:s4+s3], $0x6400, $0x38;
	[tilespmem:$0xE400] =	vst v63  }
0xf: {  	_ =	swait.ge [sflag:s9], $0x6400  }
0x10: {  	[sflag:s9] =	ssyncset.done $0x0  }
0x11: {  	[sflag:s9] =	ssyncadd.s32 $0xFFFF9C00  }
0x12: {  	[tilespmem:s11], [sflag:$0x1] =	stream.indirect.gather [hbm4b:s2+s10], $0x80, s3, s10, $0xb8;
	[tilespmem:$0xE400] =	vst v63  }
0x13: {  	_ = 	snop  }
0x14: {  	[tilespmem:s12], [sflag:$0x2] =	stream.indirect.gather [hbm4b:s2+s10], $0x80, s10, s10, $0xb8;
	[tilespmem:$0xE400] =	vst v63  }
0x15: {  	s18 =	sand.u32 $0x1, s14;
	_ =	swait.ge [sflag:s13], $0x4000  }
0x16: {  	s17 =	simm.s32 $0x100;
	s21 =	simm.s32 $0x1;
	[sflag:s13] =	ssyncset.done $0x0  }
0x17: {  	s19 =	sadd.s32 $0x3, s18;
	s20 =	sshll.u32 s18, $0xE;
	[sflag:s13] =	ssyncadd.s32 $0xFFFFC000  }
0x18: {  	[hbm4b:s5+s3] =	stream.linear.scatter [tilespmem:s11], [sflag:$0x3], $0x4000, $0x38;
	[tilespmem:$0xE400] =	vst v63  }
0x19: {  	s18 =	sadd.s32 $0x1, s18;
	s22 =	sand.u32 $0x1, s21;
	_ =	swait.ge [sflag:s19], $0x4000  }
0x1a: {  	s30 =	sadd.s32 $0x6400, s20;
	s21 =	sadd.s32 $0x1, s22;
	[sflag:s19] =	ssyncset.done $0x0  }
0x1b: {  	s31 =	sshll.u32 s22, $0xE;
	s22 =	sadd.s32 $0x3, s22;
	[sflag:s19] =	ssyncadd.s32 $0xFFFFC000  }
0x1c: {  	[tilespmem:s30], [sflag:s18] =	stream.indirect.gather [hbm4b:s2+s10], $0x80, s17, s10, $0xb8;
	[tilespmem:$0xE400] =	vst v63  }
0x1d: {  	s20 =	smov.u32 s8;
	s23 =	sadd.s32 $0x6400, s31;
	_ =	swait.ge [sflag:s21], $0x4000  }
0x1e: {  	s19 =	smov.u32 s8;
	s18 =	simm.s32 $0x3;
	[sflag:s21] =	ssyncset.done $0x0  }
.LBB2_2:
0x1f: {  	[sflag:s21] =	ssyncadd.s32 $0xFFFFC000  }
0x20: {  	s19 =	sadd.s32 $0x800, s19;
	s17 =	sadd.s32 $0x80, s17;
	s21 =	smov.u32 s18  }
0x21: {  	[hbm4b:s20+s3] =	stream.linear.scatter [tilespmem:s23], [sflag:s22], $0x4000, $0x38;
	[tilespmem:$0xE400] =	vst v63  }
0x22: {  	p0 =	sne.s32 s18, $0xC7;
	s18 =	sadd.s32 $0x1, s18;
	s22 =	sand.u32 $0x1, s21  }
0x23: {  	s20 =	smov.u32 s19;
	s23 =	sadd.s32 $0x3, s22;
	s24 =	sshll.u32 s22, $0xE  }
0x24: {  	s21 =	sadd.s32 $0xFFFFFFFF, s21;
	_ =	swait.ge [sflag:s23], $0x4000  }
0x25: {  	s22 =	sadd.s32 $0x1, s22;
	s25 =	sand.u32 $0x1, s21;
	[sflag:s23] =	ssyncset.done $0x0  }
.Ltmp0:
0x26: {  	s21 =	sadd.s32 $0x6400, s24;
	[sflag:s23] =	ssyncadd.s32 $0xFFFFC000;
	(pc) =	sbr.rel @p0 .LBB2_2-.Ltmp0, $4  }
0x27: {  	[tilespmem:s21], [sflag:s22] =	stream.indirect.gather [hbm4b:s2+s10], $0x80, s17, s10, $0xb8;
	[tilespmem:$0xE400] =	vst v63  }
0x28: {  	s23 =	sshll.u32 s25, $0xE;
	s21 =	sadd.s32 $0x1, s25  }
0x29: {  	_ =	swait.ge [sflag:s21], $0x4000  }
0x2a: {  	s22 =	sadd.s32 $0x3, s25;
	s23 =	sadd.s32 $0x6400, s23;
	[sflag:s21] =	ssyncset.done $0x0  }
0x2b: {  	[sflag:s21] =	ssyncadd.s32 $0xFFFFC000  }
0x2c: {  	[hbm4b:s20+s3] =	stream.linear.scatter [tilespmem:s23], [sflag:s22], $0x4000, $0x38;
	[tilespmem:$0xE400] =	vst v63  }
0x2d: {  	_ =	swait.ge [sflag:s22], $0x4000  }
0x2e: {  	[sflag:s22] =	ssyncset.done $0x0  }
0x2f: {  	[sflag:s22] =	ssyncadd.s32 $0xFFFFC000  }
0x30: {  	s16 =	sadd.s32 $0x1, s16;
	_ =	swait.ge [sflag:s14], $0x4000  }
0x31: {  	p0 =	sne.s32 s16, s6;
	[sflag:s14] =	ssyncset.done $0x0  }
.Ltmp1:
0x32: {  	[sflag:s14] =	ssyncadd.s32 $0xFFFFC000;
	(pc) =	sbr.rel @p0 .LBB2_1-.Ltmp1, $4  }
0x33: {  	[hbm4b:s7+s3] =	stream.linear.scatter [tilespmem:s12], [sflag:$0x4], $0x4000, $0x38;
	[tilespmem:$0xE400] =	vst v63  }
0x34: {  	_ =	swait.ge [sflag:s15], $0x4000  }
0x35: {  	[sflag:s15] =	ssyncset.done $0x0  }
0x36: {  	[sflag:s15] =	ssyncadd.s32 $0xFFFFC000  }
0x37: {  	_ =	sfence.sel $0x180000  }
0x38: {  	[bflag:$0x0] =	sbarrier.arrive $0xFFFF  }
0x39: {  	p0 =	sne.s32 s0, $0x0;
	_ =	strace $0x90000047  }
0x3a: {  	s0 =	sadd.s32 @!p0 $0x100000, s1;
	[bflag:$0x2] =	sbarrier.arrive $0xFFFF  }
0x3b: {  	[sflag:s0] =	ssyncadd.tile.s32 @!p0 $0x1;
	_ =	shalt  }
.Lfunc_end2:
_tile_overlayer_lowered:
.L_overlay_start_2:
0x3c: {  	(tag) =	ssettag $0x2  }
0x3d: {  	s0 =	rddreg [dreg:$0x0];
	s2 =	stileid.u32  }
0x3e: {  	s1 =	rddreg [dreg:$0x1];
	p0 =	sne.s32 s2, $0x0  }
0x3f: {  	s3 =	rddreg [dreg:$0x2];
	[bflag:$0x3] =	sbarrier.arrive $0xFFFF;
	s2 =	simm.s32 @!p0 $0x1C06  }
0x40: {  	[timem:s3], [sflag:s2] =	dma.local @!p0 [hbm:s0], s1  }
0x41: {  	s0 =	simm.s32 @!p0 $0x6  }
0x42: {  	_ =	swait.ge @!p0 [sflag:s0], s1  }
0x43: {  	s1 =	ssub.s32 @!p0 $0x0, s1;
	[sflag:s0] =	ssyncset.done @!p0 $0x0  }
0x44: {  	[sflag:s0] =	ssyncadd.s32 @!p0 s1  }
0x45: {  	[bflag:$0x3] =	sbarrier.arrive $0xFFFF  }
0x46: {  	_ =	shalt  }

</sc_bundles>
